<compile_context>
chip_gen: v7x
topology: tpu7x:2x2x1
jax: 0.10.2.dev20260603
libtpu: 0.0.44.dev20260713+nightly
codegen_flags: <defaults>
</compile_context>

<pallas_src>
import functools

import jax
import jax.numpy as jnp
from jax import lax
from jax.experimental import pallas as pl
from jax.experimental.pallas import tpu as pltpu
from jax.experimental.pallas import tpu_sc as plsc

B = 4096
D = 1398
V = 100000
BC = 1024
NBLK = (V + BC - 1) // BC
NC = 2
NS = 16
NW = NC * NS
RPW = B // NW


def _matvec_body(w1_ref, w2_ref, e1_ref, e2_ref, o1_ref, o2_ref):
    o1_ref[...] = jnp.dot(w1_ref[...], e1_ref[...],
                          preferred_element_type=jnp.float32)
    o2_ref[...] = jnp.dot(w2_ref[...], e2_ref[...],
                          preferred_element_type=jnp.float32)


_matvec = pl.pallas_call(
    _matvec_body,
    grid=(NBLK,),
    in_specs=[
        pl.BlockSpec((1, D), lambda k: (0, 0)),
        pl.BlockSpec((1, D), lambda k: (0, 0)),
        pl.BlockSpec((D, BC), lambda k: (0, k)),
        pl.BlockSpec((D, BC), lambda k: (0, k)),
    ],
    out_specs=[
        pl.BlockSpec((1, BC), lambda k: (0, k)),
        pl.BlockSpec((1, BC), lambda k: (0, k)),
    ],
    out_shape=[
        jax.ShapeDtypeStruct((1, V), jnp.float32),
        jax.ShapeDtypeStruct((1, V), jnp.float32),
    ],
    compiler_params=pltpu.CompilerParams(
        dimension_semantics=("arbitrary",)),
)


def _sc_body(i1, i2, s1, s2, consts, sims, out,
             idx1_v, idx2_v, g1_v, g2_v, consts_v, sim_v, out_v,
             sem1, sem2):
    wid = lax.axis_index("s") * NC + lax.axis_index("c")
    base = wid * RPW

    pltpu.sync_copy(i1.at[pl.ds(base, RPW)], idx1_v)
    pltpu.sync_copy(i2.at[pl.ds(base, RPW)], idx2_v)
    pltpu.sync_copy(consts, consts_v)
    pltpu.sync_copy(sims.at[pl.ds(base, RPW)], sim_v)

    h1 = pltpu.async_copy(s1.at[idx1_v], g1_v, sem1)
    h2 = pltpu.async_copy(s2.at[idx2_v], g2_v, sem2)
    h1.wait()
    h2.wait()

    wsim = consts_v[0]
    bvec = consts_v[1]
    for k in range(RPW // 16):
        ds = pl.ds(k * 16, 16)
        z = g1_v[ds] + g2_v[ds] + sim_v[ds] * wsim + bvec
        out_v[ds] = 1.0 / (1.0 + jnp.exp(-z))

    pltpu.sync_copy(out_v, out.at[pl.ds(base, RPW)])


@functools.partial(
    pl.kernel,
    mesh=plsc.VectorSubcoreMesh(core_axis_name="c", subcore_axis_name="s"),
    out_type=jax.ShapeDtypeStruct((B,), jnp.float32),
    compiler_params=pltpu.CompilerParams(needs_layout_passes=False),
    scratch_types=[
        pltpu.VMEM((RPW,), jnp.int32),
        pltpu.VMEM((RPW,), jnp.int32),
        pltpu.VMEM((RPW,), jnp.float32),
        pltpu.VMEM((RPW,), jnp.float32),
        pltpu.VMEM((2, 16), jnp.float32),
        pltpu.VMEM((RPW,), jnp.float32),
        pltpu.VMEM((RPW,), jnp.float32),
        pltpu.SemaphoreType.DMA,
        pltpu.SemaphoreType.DMA,
    ],
)
def _lookup_sc(i1, i2, s1, s2, consts, sims, out, *scratch):
    _sc_body(i1, i2, s1, s2, consts, sims, out, *scratch)


@jax.jit
def kernel(input1, input2, emb_scenario, emb_law, W_fc, b_fc, similarities):
    w = W_fc[:, 0]
    w1 = w[0:D].reshape(1, D)
    w2 = w[D:2 * D].reshape(1, D)
    s1, s2 = _matvec(w1, w2, emb_scenario.T, emb_law.T)
    consts = jnp.stack([jnp.full((16,), w[2 * D], jnp.float32),
                        jnp.full((16,), b_fc[0], jnp.float32)])
    res = _lookup_sc(input1.astype(jnp.int32), input2.astype(jnp.int32),
                     s1.reshape(V), s2.reshape(V), consts,
                     similarities.astype(jnp.float32))
    return res.reshape(B, 1)

# --- scband reference (transcript-rebuilt; emitter-appended) ---
"""Pipeline reference for scband-siamese-network-18021682774423 (READ-ONLY COPY).

The authoritative reference and input builder live on the scoring server;
editing this copy changes nothing except your own understanding.
"""

import jax, jax.numpy as jnp
import numpy as np

BATCH = 4096
VOCAB_SCEN = 100000
VOCAB_LAW = 100000
EMB_DIM = 1398


def setup_inputs(seed: int = 0) -> dict:
    key = jax.random.key(seed)
    k1, k2, k3, k4, k5, k6, k7 = jax.random.split(key, 7)
    input1 = jax.random.randint(k1, (BATCH,), 0, VOCAB_SCEN, dtype=jnp.int64 if jax.config.read('jax_enable_x64') else jnp.int32)
    input2 = jax.random.randint(k2, (BATCH,), 0, VOCAB_LAW, dtype=jnp.int64 if jax.config.read('jax_enable_x64') else jnp.int32)
    emb_scenario = jax.random.normal(k3, (VOCAB_SCEN, EMB_DIM), dtype=jnp.float32)
    emb_law = jax.random.normal(k4, (VOCAB_LAW, EMB_DIM), dtype=jnp.float32)
    W_fc = jax.random.normal(k5, (EMB_DIM * 2 + 1, 1), dtype=jnp.float32) * 0.02
    b_fc = jnp.zeros((1,), dtype=jnp.float32)
    # Stand-in for the glove/jaccard text-similarity scalar computed per pair in the
    # original forward (external text data is not reproducible); one float per row.
    similarities = jax.random.uniform(k6, (BATCH,), dtype=jnp.float32)
    return {"input1": input1, "input2": input2, "emb_scenario": emb_scenario,
            "emb_law": emb_law, "W_fc": W_fc, "b_fc": b_fc, "similarities": similarities}


def reference(input1, input2, emb_scenario, emb_law, W_fc, b_fc, similarities):
    # forward_once: embedding lookup then flatten (1D indices -> [B, EMB_DIM])
    output1 = jnp.take(emb_scenario, input1, axis=0).reshape(input1.shape[0], -1)
    output2 = jnp.take(emb_law, input2, axis=0).reshape(input2.shape[0], -1)
    output = jnp.concatenate([output1, output2, similarities[:, None]], axis=1)
    output = output @ W_fc + b_fc
    return jax.nn.sigmoid(output)

if __name__ == "__main__":
    import jax
    _d = setup_inputs()
    print(jax.jit(kernel)(*tuple(_d.values())))

</pallas_src>

<mosaic_0001>
#map = affine_map<(d0, d1) -> (0)>
#map1 = affine_map<(d0, d1) -> (0, 0)>
module attributes {stable_mosaic.version = 14 : i64} {
  func.func @_lookup_sc(%arg0: i32, %arg1: i32, %arg2: memref<4096xi32, #tpu.memory_space<hbm>>, %arg3: memref<4096xi32, #tpu.memory_space<hbm>>, %arg4: memref<100000xf32, #tpu.memory_space<hbm>>, %arg5: memref<100000xf32, #tpu.memory_space<hbm>>, %arg6: memref<2x16xf32, #tpu.memory_space<hbm>>, %arg7: memref<4096xf32, #tpu.memory_space<hbm>>, %arg8: memref<4096xf32, #tpu.memory_space<hbm>>, %arg9: memref<128xi32, #tpu.memory_space<vmem>>, %arg10: memref<128xi32, #tpu.memory_space<vmem>>, %arg11: memref<128xf32, #tpu.memory_space<vmem>>, %arg12: memref<128xf32, #tpu.memory_space<vmem>>, %arg13: memref<2x16xf32, #tpu.memory_space<vmem>>, %arg14: memref<128xf32, #tpu.memory_space<vmem>>, %arg15: memref<128xf32, #tpu.memory_space<vmem>>, %arg16: memref<!tpu.dma_semaphore, #tpu.memory_space<semaphore_mem>>, %arg17: memref<!tpu.dma_semaphore, #tpu.memory_space<semaphore_mem>>) attributes {dimension_semantics = [#tpu.dimension_semantics<core_parallel>, #tpu.dimension_semantics<subcore_parallel>], iteration_bounds = array<i64: 2, 16>, scalar_prefetch = 0 : i64, scratch_operands = 9 : i64, tpu.core_type = #tpu.core_type<sc_vector_subcore>, window_params = [{transform_indices = #map}, {transform_indices = #map}, {transform_indices = #map}, {transform_indices = #map}, {transform_indices = #map1}, {transform_indices = #map}, {transform_indices = #map}]} {
    %mul3A = arith.constant 2 : i32
    %mul3A_0 = arith.muli %arg1, %mul3A : i32
    %add3A = arith.addi %mul3A_0, %arg0 : i32
    %mul3A_1 = arith.constant 128 : i32
    %mul3A_2 = arith.muli %add3A, %mul3A_1 : i32
    "tpu.region"() ({
      %run_scoped3A = tpu.sem_alloc : memref<!tpu.dma_semaphore, #tpu.memory_space<semaphore_mem>>
      %dma_start3A_188 = tpu.memref_slice %arg2[%mul3A_2] : memref<4096xi32, #tpu.memory_space<hbm>> -> memref<128xi32, #tpu.memory_space<hbm>>
      %dma_start3A_189 = tpu.memref_slice %arg2[%mul3A_2] : memref<4096xi32, #tpu.memory_space<hbm>> -> memref<128xi32, #tpu.memory_space<hbm>>
      tpu.enqueue_dma source(%dma_start3A_189 : memref<128xi32, #tpu.memory_space<hbm>>) target(%arg9 : memref<128xi32, #tpu.memory_space<vmem>>) target_semaphore(%run_scoped3A : memref<!tpu.dma_semaphore, #tpu.memory_space<semaphore_mem>>)
      %dma_wait3A_190 = tpu.memref_slice %arg2[%mul3A_2] : memref<4096xi32, #tpu.memory_space<hbm>> -> memref<128xi32, #tpu.memory_space<hbm>>
      %dma_wait3A_191 = tpu.memref_slice %arg2[%mul3A_2] : memref<4096xi32, #tpu.memory_space<hbm>> -> memref<128xi32, #tpu.memory_space<hbm>>
      tpu.wait_dma2 semaphore(%run_scoped3A : memref<!tpu.dma_semaphore, #tpu.memory_space<semaphore_mem>>) src(%dma_wait3A_191 : memref<128xi32, #tpu.memory_space<hbm>>) dst(%arg9 : memref<128xi32, #tpu.memory_space<vmem>>)
      tpu.yield
    }) : () -> ()
    "tpu.region"() ({
      %run_scoped3A = tpu.sem_alloc : memref<!tpu.dma_semaphore, #tpu.memory_space<semaphore_mem>>
      %dma_start3A_188 = tpu.memref_slice %arg3[%mul3A_2] : memref<4096xi32, #tpu.memory_space<hbm>> -> memref<128xi32, #tpu.memory_space<hbm>>
      %dma_start3A_189 = tpu.memref_slice %arg3[%mul3A_2] : memref<4096xi32, #tpu.memory_space<hbm>> -> memref<128xi32, #tpu.memory_space<hbm>>
      tpu.enqueue_dma source(%dma_start3A_189 : memref<128xi32, #tpu.memory_space<hbm>>) target(%arg10 : memref<128xi32, #tpu.memory_space<vmem>>) target_semaphore(%run_scoped3A : memref<!tpu.dma_semaphore, #tpu.memory_space<semaphore_mem>>)
      %dma_wait3A_190 = tpu.memref_slice %arg3[%mul3A_2] : memref<4096xi32, #tpu.memory_space<hbm>> -> memref<128xi32, #tpu.memory_space<hbm>>
      %dma_wait3A_191 = tpu.memref_slice %arg3[%mul3A_2] : memref<4096xi32, #tpu.memory_space<hbm>> -> memref<128xi32, #tpu.memory_space<hbm>>
      tpu.wait_dma2 semaphore(%run_scoped3A : memref<!tpu.dma_semaphore, #tpu.memory_space<semaphore_mem>>) src(%dma_wait3A_191 : memref<128xi32, #tpu.memory_space<hbm>>) dst(%arg10 : memref<128xi32, #tpu.memory_space<vmem>>)
      tpu.yield
    }) : () -> ()
    "tpu.region"() ({
      %run_scoped3A = tpu.sem_alloc : memref<!tpu.dma_semaphore, #tpu.memory_space<semaphore_mem>>
      tpu.enqueue_dma source(%arg6 : memref<2x16xf32, #tpu.memory_space<hbm>>) target(%arg13 : memref<2x16xf32, #tpu.memory_space<vmem>>) target_semaphore(%run_scoped3A : memref<!tpu.dma_semaphore, #tpu.memory_space<semaphore_mem>>)
      tpu.wait_dma2 semaphore(%run_scoped3A : memref<!tpu.dma_semaphore, #tpu.memory_space<semaphore_mem>>) src(%arg6 : memref<2x16xf32, #tpu.memory_space<hbm>>) dst(%arg13 : memref<2x16xf32, #tpu.memory_space<vmem>>)
      tpu.yield
    }) : () -> ()
    "tpu.region"() ({
      %run_scoped3A = tpu.sem_alloc : memref<!tpu.dma_semaphore, #tpu.memory_space<semaphore_mem>>
      %dma_start3A_188 = tpu.memref_slice %arg7[%mul3A_2] : memref<4096xf32, #tpu.memory_space<hbm>> -> memref<128xf32, #tpu.memory_space<hbm>>
      %dma_start3A_189 = tpu.memref_slice %arg7[%mul3A_2] : memref<4096xf32, #tpu.memory_space<hbm>> -> memref<128xf32, #tpu.memory_space<hbm>>
      tpu.enqueue_dma source(%dma_start3A_189 : memref<128xf32, #tpu.memory_space<hbm>>) target(%arg14 : memref<128xf32, #tpu.memory_space<vmem>>) target_semaphore(%run_scoped3A : memref<!tpu.dma_semaphore, #tpu.memory_space<semaphore_mem>>)
      %dma_wait3A_190 = tpu.memref_slice %arg7[%mul3A_2] : memref<4096xf32, #tpu.memory_space<hbm>> -> memref<128xf32, #tpu.memory_space<hbm>>
      %dma_wait3A_191 = tpu.memref_slice %arg7[%mul3A_2] : memref<4096xf32, #tpu.memory_space<hbm>> -> memref<128xf32, #tpu.memory_space<hbm>>
      tpu.wait_dma2 semaphore(%run_scoped3A : memref<!tpu.dma_semaphore, #tpu.memory_space<semaphore_mem>>) src(%dma_wait3A_191 : memref<128xf32, #tpu.memory_space<hbm>>) dst(%arg14 : memref<128xf32, #tpu.memory_space<vmem>>)
      tpu.yield
    }) : () -> ()
    %dma_start3A = arith.constant 0 : i32
    %dma_start3A_3 = tpu.memref_slice %arg4[%dma_start3A] : memref<100000xf32, #tpu.memory_space<hbm>> -> memref<100000xf32, #tpu.memory_space<hbm>>
    tpu.enqueue_indirect_dma source(%dma_start3A_3 : memref<100000xf32, #tpu.memory_space<hbm>>) target(%arg11 : memref<128xf32, #tpu.memory_space<vmem>>) offsets(%arg9 : memref<128xi32, #tpu.memory_space<vmem>>) semaphore(%arg16 : memref<!tpu.dma_semaphore, #tpu.memory_space<semaphore_mem>>)
    %dma_start3A_4 = arith.constant 0 : i32
    %dma_start3A_5 = tpu.memref_slice %arg5[%dma_start3A_4] : memref<100000xf32, #tpu.memory_space<hbm>> -> memref<100000xf32, #tpu.memory_space<hbm>>
    tpu.enqueue_indirect_dma source(%dma_start3A_5 : memref<100000xf32, #tpu.memory_space<hbm>>) target(%arg12 : memref<128xf32, #tpu.memory_space<vmem>>) offsets(%arg10 : memref<128xi32, #tpu.memory_space<vmem>>) semaphore(%arg17 : memref<!tpu.dma_semaphore, #tpu.memory_space<semaphore_mem>>)
    %dma_wait3A = arith.constant 0 : i32
    %dma_wait3A_6 = tpu.memref_slice %arg4[%dma_wait3A] : memref<100000xf32, #tpu.memory_space<hbm>> -> memref<100000xf32, #tpu.memory_space<hbm>>
    tpu.wait_indirect_dma semaphore(%arg16 : memref<!tpu.dma_semaphore, #tpu.memory_space<semaphore_mem>>) src(%dma_wait3A_6 : memref<100000xf32, #tpu.memory_space<hbm>>) dst(%arg11 : memref<128xf32, #tpu.memory_space<vmem>>)
    %dma_wait3A_7 = arith.constant 0 : i32
    %dma_wait3A_8 = tpu.memref_slice %arg5[%dma_wait3A_7] : memref<100000xf32, #tpu.memory_space<hbm>> -> memref<100000xf32, #tpu.memory_space<hbm>>
    tpu.wait_indirect_dma semaphore(%arg17 : memref<!tpu.dma_semaphore, #tpu.memory_space<semaphore_mem>>) src(%dma_wait3A_8 : memref<100000xf32, #tpu.memory_space<hbm>>) dst(%arg12 : memref<128xf32, #tpu.memory_space<vmem>>)
    %get3A = arith.constant 0 : i32
    %get3A_9 = arith.index_cast %get3A : i32 to index
    %get3A_10 = arith.constant 0 : index
    %get3A_11 = tpu.vector_load %arg13[%get3A_9, %get3A_10] {strides = array<i32>} : memref<2x16xf32, #tpu.memory_space<vmem>>, vector<16xf32>,
    %get3A_12 = arith.constant 1 : i32
    %get3A_13 = arith.index_cast %get3A_12 : i32 to index
    %get3A_14 = arith.constant 0 : index
    %get3A_15 = tpu.vector_load %arg13[%get3A_13, %get3A_14] {strides = array<i32>} : memref<2x16xf32, #tpu.memory_space<vmem>>, vector<16xf32>,
    %get3A_16 = arith.constant 0 : index
    %get3A_17 = tpu.vector_load %arg11[%get3A_16] {strides = array<i32>} : memref<128xf32, #tpu.memory_space<vmem>>, vector<16xf32>,
    %get3A_18 = arith.constant 0 : index
    %get3A_19 = tpu.vector_load %arg12[%get3A_18] {strides = array<i32>} : memref<128xf32, #tpu.memory_space<vmem>>, vector<16xf32>,
    %add3A_20 = arith.addf %get3A_17, %get3A_19 : vector<16xf32>
    %get3A_21 = arith.constant 0 : index
    %get3A_22 = tpu.vector_load %arg14[%get3A_21] {strides = array<i32>} : memref<128xf32, #tpu.memory_space<vmem>>, vector<16xf32>,
    %mul3A_23 = arith.mulf %get3A_22, %get3A_11 : vector<16xf32>
    %add3A_24 = arith.addf %add3A_20, %mul3A_23 : vector<16xf32>
    %add3A_25 = arith.addf %add3A_24, %get3A_15 : vector<16xf32>
    %neg3A = arith.constant 0.000000e+00 : f32
    %neg3A_26 = vector.broadcast %neg3A : f32 to vector<16xf32>
    %neg3A_27 = arith.subf %neg3A_26, %add3A_25 : vector<16xf32>
    %exp3A = math.exp %neg3A_27 : vector<16xf32>
    %add3A_28 = arith.constant 1.000000e+00 : f32
    %add3A_29 = vector.broadcast %add3A_28 : f32 to vector<16xf32>
    %add3A_30 = arith.addf %add3A_29, %exp3A : vector<16xf32>
    %div3A = arith.constant 1.000000e+00 : f32
    %div3A_31 = vector.broadcast %div3A : f32 to vector<16xf32>
    %div3A_32 = arith.divf %div3A_31, %add3A_30 : vector<16xf32>
    %swap3A = arith.constant 0 : index
    %swap3A_33 = tpu.vector_load %arg15[%swap3A] {strides = array<i32>} : memref<128xf32, #tpu.memory_space<vmem>>, vector<16xf32>,
    tpu.vector_store %arg15[%swap3A], %div3A_32 {strides = array<i32>} : memref<128xf32, #tpu.memory_space<vmem>>, vector<16xf32>,
    %get3A_34 = arith.constant 16 : index
    %get3A_35 = tpu.vector_load %arg11[%get3A_34] {strides = array<i32>} : memref<128xf32, #tpu.memory_space<vmem>>, vector<16xf32>,
    %get3A_36 = arith.constant 16 : index
    %get3A_37 = tpu.vector_load %arg12[%get3A_36] {strides = array<i32>} : memref<128xf32, #tpu.memory_space<vmem>>, vector<16xf32>,
    %add3A_38 = arith.addf %get3A_35, %get3A_37 : vector<16xf32>
    %get3A_39 = arith.constant 16 : index
    %get3A_40 = tpu.vector_load %arg14[%get3A_39] {strides = array<i32>} : memref<128xf32, #tpu.memory_space<vmem>>, vector<16xf32>,
    %mul3A_41 = arith.mulf %get3A_40, %get3A_11 : vector<16xf32>
    %add3A_42 = arith.addf %add3A_38, %mul3A_41 : vector<16xf32>
    %add3A_43 = arith.addf %add3A_42, %get3A_15 : vector<16xf32>
    %neg3A_44 = arith.constant 0.000000e+00 : f32
    %neg3A_45 = vector.broadcast %neg3A_44 : f32 to vector<16xf32>
    %neg3A_46 = arith.subf %neg3A_45, %add3A_43 : vector<16xf32>
    %exp3A_47 = math.exp %neg3A_46 : vector<16xf32>
    %add3A_48 = arith.constant 1.000000e+00 : f32
    %add3A_49 = vector.broadcast %add3A_48 : f32 to vector<16xf32>
    %add3A_50 = arith.addf %add3A_49, %exp3A_47 : vector<16xf32>
    %div3A_51 = arith.constant 1.000000e+00 : f32
    %div3A_52 = vector.broadcast %div3A_51 : f32 to vector<16xf32>
    %div3A_53 = arith.divf %div3A_52, %add3A_50 : vector<16xf32>
    %swap3A_54 = arith.constant 16 : index
    %swap3A_55 = tpu.vector_load %arg15[%swap3A_54] {strides = array<i32>} : memref<128xf32, #tpu.memory_space<vmem>>, vector<16xf32>,
    tpu.vector_store %arg15[%swap3A_54], %div3A_53 {strides = array<i32>} : memref<128xf32, #tpu.memory_space<vmem>>, vector<16xf32>,
    %get3A_56 = arith.constant 32 : index
    %get3A_57 = tpu.vector_load %arg11[%get3A_56] {strides = array<i32>} : memref<128xf32, #tpu.memory_space<vmem>>, vector<16xf32>,
    %get3A_58 = arith.constant 32 : index
    %get3A_59 = tpu.vector_load %arg12[%get3A_58] {strides = array<i32>} : memref<128xf32, #tpu.memory_space<vmem>>, vector<16xf32>,
    %add3A_60 = arith.addf %get3A_57, %get3A_59 : vector<16xf32>
    %get3A_61 = arith.constant 32 : index
    %get3A_62 = tpu.vector_load %arg14[%get3A_61] {strides = array<i32>} : memref<128xf32, #tpu.memory_space<vmem>>, vector<16xf32>,
    %mul3A_63 = arith.mulf %get3A_62, %get3A_11 : vector<16xf32>
    %add3A_64 = arith.addf %add3A_60, %mul3A_63 : vector<16xf32>
    %add3A_65 = arith.addf %add3A_64, %get3A_15 : vector<16xf32>
    %neg3A_66 = arith.constant 0.000000e+00 : f32
    %neg3A_67 = vector.broadcast %neg3A_66 : f32 to vector<16xf32>
    %neg3A_68 = arith.subf %neg3A_67, %add3A_65 : vector<16xf32>
    %exp3A_69 = math.exp %neg3A_68 : vector<16xf32>
    %add3A_70 = arith.constant 1.000000e+00 : f32
    %add3A_71 = vector.broadcast %add3A_70 : f32 to vector<16xf32>
    %add3A_72 = arith.addf %add3A_71, %exp3A_69 : vector<16xf32>
    %div3A_73 = arith.constant 1.000000e+00 : f32
    %div3A_74 = vector.broadcast %div3A_73 : f32 to vector<16xf32>
    %div3A_75 = arith.divf %div3A_74, %add3A_72 : vector<16xf32>
    %swap3A_76 = arith.constant 32 : index
    %swap3A_77 = tpu.vector_load %arg15[%swap3A_76] {strides = array<i32>} : memref<128xf32, #tpu.memory_space<vmem>>, vector<16xf32>,
    tpu.vector_store %arg15[%swap3A_76], %div3A_75 {strides = array<i32>} : memref<128xf32, #tpu.memory_space<vmem>>, vector<16xf32>,
    %get3A_78 = arith.constant 48 : index
    %get3A_79 = tpu.vector_load %arg11[%get3A_78] {strides = array<i32>} : memref<128xf32, #tpu.memory_space<vmem>>, vector<16xf32>,
    %get3A_80 = arith.constant 48 : index
    %get3A_81 = tpu.vector_load %arg12[%get3A_80] {strides = array<i32>} : memref<128xf32, #tpu.memory_space<vmem>>, vector<16xf32>,
    %add3A_82 = arith.addf %get3A_79, %get3A_81 : vector<16xf32>
    %get3A_83 = arith.constant 48 : index
    %get3A_84 = tpu.vector_load %arg14[%get3A_83] {strides = array<i32>} : memref<128xf32, #tpu.memory_space<vmem>>, vector<16xf32>,
    %mul3A_85 = arith.mulf %get3A_84, %get3A_11 : vector<16xf32>
    %add3A_86 = arith.addf %add3A_82, %mul3A_85 : vector<16xf32>
    %add3A_87 = arith.addf %add3A_86, %get3A_15 : vector<16xf32>
    %neg3A_88 = arith.constant 0.000000e+00 : f32
    %neg3A_89 = vector.broadcast %neg3A_88 : f32 to vector<16xf32>
    %neg3A_90 = arith.subf %neg3A_89, %add3A_87 : vector<16xf32>
    %exp3A_91 = math.exp %neg3A_90 : vector<16xf32>
    %add3A_92 = arith.constant 1.000000e+00 : f32
    %add3A_93 = vector.broadcast %add3A_92 : f32 to vector<16xf32>
    %add3A_94 = arith.addf %add3A_93, %exp3A_91 : vector<16xf32>
    %div3A_95 = arith.constant 1.000000e+00 : f32
    %div3A_96 = vector.broadcast %div3A_95 : f32 to vector<16xf32>
    %div3A_97 = arith.divf %div3A_96, %add3A_94 : vector<16xf32>
    %swap3A_98 = arith.constant 48 : index
    %swap3A_99 = tpu.vector_load %arg15[%swap3A_98] {strides = array<i32>} : memref<128xf32, #tpu.memory_space<vmem>>, vector<16xf32>,
    tpu.vector_store %arg15[%swap3A_98], %div3A_97 {strides = array<i32>} : memref<128xf32, #tpu.memory_space<vmem>>, vector<16xf32>,
    %get3A_100 = arith.constant 64 : index
    %get3A_101 = tpu.vector_load %arg11[%get3A_100] {strides = array<i32>} : memref<128xf32, #tpu.memory_space<vmem>>, vector<16xf32>,
    %get3A_102 = arith.constant 64 : index
    %get3A_103 = tpu.vector_load %arg12[%get3A_102] {strides = array<i32>} : memref<128xf32, #tpu.memory_space<vmem>>, vector<16xf32>,
    %add3A_104 = arith.addf %get3A_101, %get3A_103 : vector<16xf32>
    %get3A_105 = arith.constant 64 : index
    %get3A_106 = tpu.vector_load %arg14[%get3A_105] {strides = array<i32>} : memref<128xf32, #tpu.memory_space<vmem>>, vector<16xf32>,
    %mul3A_107 = arith.mulf %get3A_106, %get3A_11 : vector<16xf32>
    %add3A_108 = arith.addf %add3A_104, %mul3A_107 : vector<16xf32>
    %add3A_109 = arith.addf %add3A_108, %get3A_15 : vector<16xf32>
    %neg3A_110 = arith.constant 0.000000e+00 : f32
    %neg3A_111 = vector.broadcast %neg3A_110 : f32 to vector<16xf32>
    %neg3A_112 = arith.subf %neg3A_111, %add3A_109 : vector<16xf32>
    %exp3A_113 = math.exp %neg3A_112 : vector<16xf32>
    %add3A_114 = arith.constant 1.000000e+00 : f32
    %add3A_115 = vector.broadcast %add3A_114 : f32 to vector<16xf32>
    %add3A_116 = arith.addf %add3A_115, %exp3A_113 : vector<16xf32>
    %div3A_117 = arith.constant 1.000000e+00 : f32
    %div3A_118 = vector.broadcast %div3A_117 : f32 to vector<16xf32>
    %div3A_119 = arith.divf %div3A_118, %add3A_116 : vector<16xf32>
    %swap3A_120 = arith.constant 64 : index
    %swap3A_121 = tpu.vector_load %arg15[%swap3A_120] {strides = array<i32>} : memref<128xf32, #tpu.memory_space<vmem>>, vector<16xf32>,
    tpu.vector_store %arg15[%swap3A_120], %div3A_119 {strides = array<i32>} : memref<128xf32, #tpu.memory_space<vmem>>, vector<16xf32>,
    %get3A_122 = arith.constant 80 : index
    %get3A_123 = tpu.vector_load %arg11[%get3A_122] {strides = array<i32>} : memref<128xf32, #tpu.memory_space<vmem>>, vector<16xf32>,
    %get3A_124 = arith.constant 80 : index
    %get3A_125 = tpu.vector_load %arg12[%get3A_124] {strides = array<i32>} : memref<128xf32, #tpu.memory_space<vmem>>, vector<16xf32>,
    %add3A_126 = arith.addf %get3A_123, %get3A_125 : vector<16xf32>
    %get3A_127 = arith.constant 80 : index
    %get3A_128 = tpu.vector_load %arg14[%get3A_127] {strides = array<i32>} : memref<128xf32, #tpu.memory_space<vmem>>, vector<16xf32>,
    %mul3A_129 = arith.mulf %get3A_128, %get3A_11 : vector<16xf32>
    %add3A_130 = arith.addf %add3A_126, %mul3A_129 : vector<16xf32>
    %add3A_131 = arith.addf %add3A_130, %get3A_15 : vector<16xf32>
    %neg3A_132 = arith.constant 0.000000e+00 : f32
    %neg3A_133 = vector.broadcast %neg3A_132 : f32 to vector<16xf32>
    %neg3A_134 = arith.subf %neg3A_133, %add3A_131 : vector<16xf32>
    %exp3A_135 = math.exp %neg3A_134 : vector<16xf32>
    %add3A_136 = arith.constant 1.000000e+00 : f32
    %add3A_137 = vector.broadcast %add3A_136 : f32 to vector<16xf32>
    %add3A_138 = arith.addf %add3A_137, %exp3A_135 : vector<16xf32>
    %div3A_139 = arith.constant 1.000000e+00 : f32
    %div3A_140 = vector.broadcast %div3A_139 : f32 to vector<16xf32>
    %div3A_141 = arith.divf %div3A_140, %add3A_138 : vector<16xf32>
    %swap3A_142 = arith.constant 80 : index
    %swap3A_143 = tpu.vector_load %arg15[%swap3A_142] {strides = array<i32>} : memref<128xf32, #tpu.memory_space<vmem>>, vector<16xf32>,
    tpu.vector_store %arg15[%swap3A_142], %div3A_141 {strides = array<i32>} : memref<128xf32, #tpu.memory_space<vmem>>, vector<16xf32>,
    %get3A_144 = arith.constant 96 : index
    %get3A_145 = tpu.vector_load %arg11[%get3A_144] {strides = array<i32>} : memref<128xf32, #tpu.memory_space<vmem>>, vector<16xf32>,
    %get3A_146 = arith.constant 96 : index
    %get3A_147 = tpu.vector_load %arg12[%get3A_146] {strides = array<i32>} : memref<128xf32, #tpu.memory_space<vmem>>, vector<16xf32>,
    %add3A_148 = arith.addf %get3A_145, %get3A_147 : vector<16xf32>
    %get3A_149 = arith.constant 96 : index
    %get3A_150 = tpu.vector_load %arg14[%get3A_149] {strides = array<i32>} : memref<128xf32, #tpu.memory_space<vmem>>, vector<16xf32>,
    %mul3A_151 = arith.mulf %get3A_150, %get3A_11 : vector<16xf32>
    %add3A_152 = arith.addf %add3A_148, %mul3A_151 : vector<16xf32>
    %add3A_153 = arith.addf %add3A_152, %get3A_15 : vector<16xf32>
    %neg3A_154 = arith.constant 0.000000e+00 : f32
    %neg3A_155 = vector.broadcast %neg3A_154 : f32 to vector<16xf32>
    %neg3A_156 = arith.subf %neg3A_155, %add3A_153 : vector<16xf32>
    %exp3A_157 = math.exp %neg3A_156 : vector<16xf32>
    %add3A_158 = arith.constant 1.000000e+00 : f32
    %add3A_159 = vector.broadcast %add3A_158 : f32 to vector<16xf32>
    %add3A_160 = arith.addf %add3A_159, %exp3A_157 : vector<16xf32>
    %div3A_161 = arith.constant 1.000000e+00 : f32
    %div3A_162 = vector.broadcast %div3A_161 : f32 to vector<16xf32>
    %div3A_163 = arith.divf %div3A_162, %add3A_160 : vector<16xf32>
    %swap3A_164 = arith.constant 96 : index
    %swap3A_165 = tpu.vector_load %arg15[%swap3A_164] {strides = array<i32>} : memref<128xf32, #tpu.memory_space<vmem>>, vector<16xf32>,
    tpu.vector_store %arg15[%swap3A_164], %div3A_163 {strides = array<i32>} : memref<128xf32, #tpu.memory_space<vmem>>, vector<16xf32>,
    %get3A_166 = arith.constant 112 : index
    %get3A_167 = tpu.vector_load %arg11[%get3A_166] {strides = array<i32>} : memref<128xf32, #tpu.memory_space<vmem>>, vector<16xf32>,
    %get3A_168 = arith.constant 112 : index
    %get3A_169 = tpu.vector_load %arg12[%get3A_168] {strides = array<i32>} : memref<128xf32, #tpu.memory_space<vmem>>, vector<16xf32>,
    %add3A_170 = arith.addf %get3A_167, %get3A_169 : vector<16xf32>
    %get3A_171 = arith.constant 112 : index
    %get3A_172 = tpu.vector_load %arg14[%get3A_171] {strides = array<i32>} : memref<128xf32, #tpu.memory_space<vmem>>, vector<16xf32>,
    %mul3A_173 = arith.mulf %get3A_172, %get3A_11 : vector<16xf32>
    %add3A_174 = arith.addf %add3A_170, %mul3A_173 : vector<16xf32>
    %add3A_175 = arith.addf %add3A_174, %get3A_15 : vector<16xf32>
    %neg3A_176 = arith.constant 0.000000e+00 : f32
    %neg3A_177 = vector.broadcast %neg3A_176 : f32 to vector<16xf32>
    %neg3A_178 = arith.subf %neg3A_177, %add3A_175 : vector<16xf32>
    %exp3A_179 = math.exp %neg3A_178 : vector<16xf32>
    %add3A_180 = arith.constant 1.000000e+00 : f32
    %add3A_181 = vector.broadcast %add3A_180 : f32 to vector<16xf32>
    %add3A_182 = arith.addf %add3A_181, %exp3A_179 : vector<16xf32>
    %div3A_183 = arith.constant 1.000000e+00 : f32
    %div3A_184 = vector.broadcast %div3A_183 : f32 to vector<16xf32>
    %div3A_185 = arith.divf %div3A_184, %add3A_182 : vector<16xf32>
    %swap3A_186 = arith.constant 112 : index
    %swap3A_187 = tpu.vector_load %arg15[%swap3A_186] {strides = array<i32>} : memref<128xf32, #tpu.memory_space<vmem>>, vector<16xf32>,
    tpu.vector_store %arg15[%swap3A_186], %div3A_185 {strides = array<i32>} : memref<128xf32, #tpu.memory_space<vmem>>, vector<16xf32>,
    "tpu.region"() ({
      %run_scoped3A = tpu.sem_alloc : memref<!tpu.dma_semaphore, #tpu.memory_space<semaphore_mem>>
      %dma_start3A_188 = tpu.memref_slice %arg8[%mul3A_2] : memref<4096xf32, #tpu.memory_space<hbm>> -> memref<128xf32, #tpu.memory_space<hbm>>
      %dma_start3A_189 = tpu.memref_slice %arg8[%mul3A_2] : memref<4096xf32, #tpu.memory_space<hbm>> -> memref<128xf32, #tpu.memory_space<hbm>>
      tpu.enqueue_dma source(%arg15 : memref<128xf32, #tpu.memory_space<vmem>>) target(%dma_start3A_189 : memref<128xf32, #tpu.memory_space<hbm>>) target_semaphore(%run_scoped3A : memref<!tpu.dma_semaphore, #tpu.memory_space<semaphore_mem>>)
      %dma_wait3A_190 = tpu.memref_slice %arg8[%mul3A_2] : memref<4096xf32, #tpu.memory_space<hbm>> -> memref<128xf32, #tpu.memory_space<hbm>>
      %dma_wait3A_191 = tpu.memref_slice %arg8[%mul3A_2] : memref<4096xf32, #tpu.memory_space<hbm>> -> memref<128xf32, #tpu.memory_space<hbm>>
      tpu.wait_dma2 semaphore(%run_scoped3A : memref<!tpu.dma_semaphore, #tpu.memory_space<semaphore_mem>>) src(%arg15 : memref<128xf32, #tpu.memory_space<vmem>>) dst(%dma_wait3A_191 : memref<128xf32, #tpu.memory_space<hbm>>)
      tpu.yield
    }) : () -> ()
    return
  }
}

module attributes {stable_mosaic.version = 14 : i64} {
  func.func @_matvec_body(%arg0: i32, %arg1: memref<1x1398xf32, #tpu.memory_space<vmem>>, %arg2: memref<1x1398xf32, #tpu.memory_space<vmem>>, %arg3: memref<1398x1024xf32, #tpu.memory_space<vmem>>, %arg4: memref<1398x1024xf32, #tpu.memory_space<vmem>>, %arg5: memref<1x1024xf32, #tpu.memory_space<vmem>>, %arg6: memref<1x1024xf32, #tpu.memory_space<vmem>>) attributes {dimension_semantics = [#tpu.dimension_semantics<arbitrary>], iteration_bounds = array<i64: 98>, scalar_prefetch = 0 : i64, scratch_operands = 0 : i64, tpu.core_type = #tpu.core_type<tc>, window_params = [{pipeline_mode = #tpu.pipeline_mode<synchronous>, transform_indices = @transform_0, window_bounds = array<i64: 1, 1398>}, {pipeline_mode = #tpu.pipeline_mode<synchronous>, transform_indices = @transform_1, window_bounds = array<i64: 1, 1398>}, {transform_indices = @transform_2, window_bounds = array<i64: 1398, 1024>}, {transform_indices = @transform_3, window_bounds = array<i64: 1398, 1024>}, {transform_indices = @transform_4, window_bounds = array<i64: 1, 1024>}, {transform_indices = @transform_5, window_bounds = array<i64: 1, 1024>}]} {
    %get3A = arith.constant 0 : index
    %get3A_0 = arith.constant 0 : index
    %get3A_1 = vector.load %arg1[%get3A, %get3A_0] : memref<1x1398xf32, #tpu.memory_space<vmem>>, vector<1x1398xf32>
    %get3A_2 = arith.constant 0 : index
    %get3A_3 = arith.constant 0 : index
    %get3A_4 = vector.load %arg3[%get3A_2, %get3A_3] : memref<1398x1024xf32, #tpu.memory_space<vmem>>, vector<1398x1024xf32>
    %dot_general3A = arith.constant dense<0.000000e+00> : vector<1x1024xf32>
    %dot_general3A_5 = tpu.matmul %get3A_1, %get3A_4, %dot_general3A {dimension_numbers = #tpu.dot_dimension_numbers<[1], [0], [0], [1], [0, 0, 1, 1], [], []>, transpose_lhs_hint = false} : vector<1x1398xf32>, vector<1398x1024xf32>, vector<1x1024xf32> -> vector<1x1024xf32>
    %swap3A = arith.constant 0 : index
    %swap3A_6 = arith.constant 0 : index
    %swap3A_7 = vector.load %arg5[%swap3A, %swap3A_6] : memref<1x1024xf32, #tpu.memory_space<vmem>>, vector<1x1024xf32>
    tpu.vector_store %arg5[%swap3A, %swap3A_6], %dot_general3A_5 {strides = array<i32>} : memref<1x1024xf32, #tpu.memory_space<vmem>>, vector<1x1024xf32>,
    %get3A_8 = arith.constant 0 : index
    %get3A_9 = arith.constant 0 : index
    %get3A_10 = vector.load %arg2[%get3A_8, %get3A_9] : memref<1x1398xf32, #tpu.memory_space<vmem>>, vector<1x1398xf32>
    %get3A_11 = arith.constant 0 : index
    %get3A_12 = arith.constant 0 : index
    %get3A_13 = vector.load %arg4[%get3A_11, %get3A_12] : memref<1398x1024xf32, #tpu.memory_space<vmem>>, vector<1398x1024xf32>
    %dot_general3A_14 = arith.constant dense<0.000000e+00> : vector<1x1024xf32>
    %dot_general3A_15 = tpu.matmul %get3A_10, %get3A_13, %dot_general3A_14 {dimension_numbers = #tpu.dot_dimension_numbers<[1], [0], [0], [1], [0, 0, 1, 1], [], []>, transpose_lhs_hint = false} : vector<1x1398xf32>, vector<1398x1024xf32>, vector<1x1024xf32> -> vector<1x1024xf32>
    %swap3A_16 = arith.constant 0 : index
    %swap3A_17 = arith.constant 0 : index
    %swap3A_18 = vector.load %arg6[%swap3A_16, %swap3A_17] : memref<1x1024xf32, #tpu.memory_space<vmem>>, vector<1x1024xf32>
    tpu.vector_store %arg6[%swap3A_16, %swap3A_17], %dot_general3A_15 {strides = array<i32>} : memref<1x1024xf32, #tpu.memory_space<vmem>>, vector<1x1024xf32>,
    return
  }
  func.func @transform_0(%arg0: i32) -> (i32, i32) {
    %c0_i32 = arith.constant 0 : i32
    %c0_i32_0 = arith.constant 0 : i32
    %c0_i32_1 = arith.constant 0 : i32
    return %c0_i32, %c0_i32_0 : i32, i32
  }
  func.func @transform_1(%arg0: i32) -> (i32, i32) {
    %c0_i32 = arith.constant 0 : i32
    %c0_i32_0 = arith.constant 0 : i32
    %c0_i32_1 = arith.constant 0 : i32
    return %c0_i32, %c0_i32_0 : i32, i32
  }
  func.func @transform_2(%arg0: i32) -> (i32, i32) {
    %c0_i32 = arith.constant 0 : i32
    %c0_i32_0 = arith.constant 0 : i32
    return %c0_i32, %arg0 : i32, i32
  }
  func.func @transform_3(%arg0: i32) -> (i32, i32) {
    %c0_i32 = arith.constant 0 : i32
    %c0_i32_0 = arith.constant 0 : i32
    return %c0_i32, %arg0 : i32, i32
  }
  func.func @transform_4(%arg0: i32) -> (i32, i32) {
    %c0_i32 = arith.constant 0 : i32
    %c0_i32_0 = arith.constant 0 : i32
    return %c0_i32, %arg0 : i32, i32
  }
  func.func @transform_5(%arg0: i32) -> (i32, i32) {
    %c0_i32 = arith.constant 0 : i32
    %c0_i32_0 = arith.constant 0 : i32
    return %c0_i32, %arg0 : i32, i32
  }
}

</mosaic_0001>

<sc_bundles>
// kernel: kernel.4.cloned.1.call-start
scs
__scs_entry_jumppad:
0x0: {  	(pc) =	sbr.rel $0x88, $3  }
0x1: {  	(tag) =	ssettag $0x0;
	lr =	simm.s32 $0x1  }
0x2: {  	[smem:$0x3F9A] =	sst lr;
	_ =	strace $0xD0000000  }
0x3: {  	_ = 	snop  }
0x4: {  	_ = 	snop  }
0x5: {  	_ = 	snop  }
0x6: {  	_ = 	snop  }
0x7: {  	_ = 	snop  }
__scs_overlays_trampoline_lowered:
0x8: {  	[smem:$0x3FA9] =	sst s0  }
0x9: {  	[smem:$0x3FAA] =	sst s1  }
0xa: {  	[smem:$0x3FAB] =	sst s2  }
0xb: {  	[smem:$0x3FAC] =	sst s3  }
0xc: {  	[smem:$0x3FAD] =	sst s4  }
0xd: {  	[smem:$0x3FAE] =	sst s5  }
0xe: {  	[smem:$0x3FAF] =	sst s6  }
0xf: {  	[smem:$0x3FB0] =	sst s7  }
0x10: {  	[smem:$0x3FB1] =	sst s8  }
0x11: {  	[smem:$0x3FB2] =	sst s9;
	s0 =	simm.s32 @!p0 $0x0  }
0x12: {  	s1 =	sld [smem:$0x3F98];
	s0 =	simm.s32 @p0 $0x1  }
0x13: {  	[smem:$0x3FB3] =	sst s0;
	s0 =	simm.s32 @!p1 $0x0  }
0x14: {  	s2 =	sld [smem:$0x3F97];
	s0 =	simm.s32 @p1 $0x1  }
0x15: {  	[smem:$0x3FB4] =	sst s0;
	s0 =	simm.s32 @!p2 $0x0  }
0x16: {  	s3 =	sld [smem:$0x3FDB];
	s0 =	simm.s32 @p2 $0x1  }
0x17: {  	s4 =	simm.s32 $0x1BF5;
	[smem:$0x3FB6] =	sst s0  }
0x18: {  	s0 =	sld [smem:$0x3F99];
	_ =	swait.ge [sflag:s4], $0x0  }
0x19: {  	s7 =	sld [smem:$0x3F9A]  }
0x1a: {  	s8 =	sadd.s32 $0xFFFFE003, lr  }
0x1b: {  	s9 =	sadd.s32 $0xFFFFFEF7, lr;
	s5 =	simm.s32 $0xFFFFFFFF;
	p2 =	slt.u32 s8, $0xFFFFF086  }
0x1c: {  	p1 =	slt.u32 s9, $0xF7A;
	s5 =	simm.s32 @!p2 $0x0  }
0x1d: {  	s5 =	simm.s32 @p1 $0x1;
	p0 =	seq.s32 s7, s2  }
0x1e: {  	s7 =	smul.u32 @!p0 $0xF7A, s2;
	p2 =	seq.s32 @!p0 s5, $0x0  }
0x1f: {  	s9 =	smul.u32 $0xF7A, s1;
	s8 =	simm.s32 @!p0 $0x1BF5;
	p2 =	por !p2, p0  }
0x20: {  	[sflag:s8] =	ssyncset.s32 @!p0 $0xFFFFF086;
	s6 =	sadd.s32 @!p0 s3, s7;
	s7 =	simm.s32 @!p0 $0x108  }
0x21: {  	s3 =	sadd.s32 s3, s9;
	s6 =	sadd.s32 @!p0 $0x88, s6;
	s7 =	simm.s32 @p2 $0x1082  }
0x22: {  	[simem:s7], [sflag:s8] =	dma.local @!p0 [hbm:s6], $0xF7A  }
0x23: {  	s9 =	sor.u32 $0xD0000000, s2;
	s6 =	simm.s32 $0x108;
	_ =	swait.ge @!p0 [sflag:s8], $0x0  }
0x24: {  	s3 =	sadd.s32 $0x88, s3;
	s6 =	simm.s32 @!p1 $0x1082;
	[sflag:s4] =	ssyncset.s32 $0xFFFFF086  }
0x25: {  	[simem:s6], [sflag:s4] =	dma.local [hbm:s3], $0xF7A  }
0x26: {  	[smem:$0x3F9A] =	sst s1;
	(tag) =	ssettag s2;
	_ =	strace s9  }
0x27: {  	s1 =	sld [smem:$0x3FAA]  }
0x28: {  	s2 =	sld [smem:$0x3FAB]  }
0x29: {  	s4 =	sld [smem:$0x3FAD]  }
0x2a: {  	p0 =	seq.s32 s5, $0x0;
	s5 =	sld [smem:$0x3FAE]  }
0x2b: {  	s6 =	sld [smem:$0x3FAF]  }
0x2c: {  	s7 =	sld [smem:$0x3FB0]  }
0x2d: {  	s3 =	simm.s32 $0x108;
	s8 =	sld [smem:$0x3FB1]  }
0x2e: {  	s3 =	simm.s32 @!p0 $0x1082;
	s9 =	sld [smem:$0x3FB2]  }
0x2f: {  	lr =	sadd.s32 s0, s3;
	s0 =	sld [smem:$0x3FA9]  }
0x30: {  	s3 =	sld [smem:$0x3FAC]  }
0x31: {  	[smem:$0x3FB5] =	sst s10  }
0x32: {  	s10 =	sld [smem:$0x3FB3];
	_ =	sdelay $0x3  }
0x33: {  	p0 =	seq.s32 s10, $0x1;
	s10 =	sld [smem:$0x3FB5];
	_ =	sdelay $0x3  }
0x34: {  	[smem:$0x3FB5] =	sst s10  }
0x35: {  	s10 =	sld [smem:$0x3FB4];
	_ =	sdelay $0x3  }
0x36: {  	p1 =	seq.s32 s10, $0x1;
	s10 =	sld [smem:$0x3FB5];
	_ =	sdelay $0x3  }
0x37: {  	[smem:$0x3FB5] =	sst s10  }
0x38: {  	s10 =	sld [smem:$0x3FB6]  }
0x39: {  	_ = 	snop;
	(pc) =	sbr.ind lr, $3  }
0x3a: {  	_ = 	snop  }
0x3b: {  	_ = 	snop  }
0x3c: {  	p2 =	seq.s32 s10, $0x1;
	s10 =	sld [smem:$0x3FB5]  }
0x3d: {  	_ =	shalt  }
0x3e: {  	_ =	shalt  }
0x3f: {  	_ =	shalt  }
0x40: {  	_ =	shalt  }
0x41: {  	_ =	shalt  }
0x42: {  	_ =	shalt  }
0x43: {  	_ =	shalt  }
0x44: {  	_ =	shalt  }
0x45: {  	_ =	shalt  }
0x46: {  	_ =	shalt  }
0x47: {  	_ =	shalt  }
0x48: {  	_ =	shalt  }
0x49: {  	_ =	shalt  }
0x4a: {  	_ =	shalt  }
0x4b: {  	_ =	shalt  }
0x4c: {  	_ =	shalt  }
0x4d: {  	_ =	shalt  }
0x4e: {  	_ =	shalt  }
0x4f: {  	_ =	shalt  }
0x50: {  	_ =	shalt  }
0x51: {  	_ =	shalt  }
0x52: {  	_ =	shalt  }
0x53: {  	_ =	shalt  }
0x54: {  	_ =	shalt  }
0x55: {  	_ =	shalt  }
0x56: {  	_ =	shalt  }
0x57: {  	_ =	shalt  }
0x58: {  	_ =	shalt  }
0x59: {  	_ =	shalt  }
0x5a: {  	_ =	shalt  }
0x5b: {  	_ =	shalt  }
0x5c: {  	_ =	shalt  }
0x5d: {  	_ =	shalt  }
0x5e: {  	_ =	shalt  }
0x5f: {  	_ =	shalt  }
0x60: {  	_ =	shalt  }
0x61: {  	_ =	shalt  }
0x62: {  	_ =	shalt  }
0x63: {  	_ =	shalt  }
0x64: {  	_ =	shalt  }
0x65: {  	_ =	shalt  }
0x66: {  	_ =	shalt  }
0x67: {  	_ =	shalt  }
0x68: {  	_ =	shalt  }
0x69: {  	_ =	shalt  }
0x6a: {  	_ =	shalt  }
0x6b: {  	_ =	shalt  }
0x6c: {  	_ =	shalt  }
0x6d: {  	_ =	shalt  }
0x6e: {  	_ =	shalt  }
0x6f: {  	_ =	shalt  }
0x70: {  	_ =	shalt  }
0x71: {  	_ =	shalt  }
0x72: {  	_ =	shalt  }
0x73: {  	_ =	shalt  }
0x74: {  	_ =	shalt  }
0x75: {  	_ =	shalt  }
0x76: {  	_ =	shalt  }
0x77: {  	_ =	shalt  }
0x78: {  	_ =	shalt  }
0x79: {  	_ =	shalt  }
0x7a: {  	_ =	shalt  }
0x7b: {  	_ =	shalt  }
0x7c: {  	_ =	shalt  }
0x7d: {  	_ =	shalt  }
0x7e: {  	_ =	shalt  }
0x7f: {  	_ =	shalt  }
0x80: {  	_ =	shalt  }
0x81: {  	_ =	shalt  }
0x82: {  	_ =	shalt  }
0x83: {  	_ =	shalt  }
0x84: {  	_ =	shalt  }
0x85: {  	_ =	shalt  }
0x86: {  	_ =	shalt  }
0x87: {  	_ =	shalt  }
.Lfunc_end0:
.L_simem_size_0:
called_computation_lowered:
.L_overlay_start_0:
0x88: {  	s2 =	sld [smem:$0x3FD9]  }
0x89: {  	s3 =	sld [smem:$0x3FFE];
	_ =	sdelay $0x1  }
0x8a: {  	s1 =	srdreg.scid  }
0x8b: {  	s0 =	sand.u32 $0x1, s1  }
0x8c: {  	s17 =	sshll.u32 s0, $0xA;
	s2 =	sadd.s32 s3, s2  }
0x8d: {  	s2 =	sadd.s32 s2, s17  }
0x8e: {  	[smem:$0x3FC1] =	sst s2  }
0x8f: {  	_ = 	snop  }
0x90: {  	s2 =	sld [smem:$0x3FC9]  }
0x91: {  	s18 =	sld [smem:$0x3FC8]  }
0x92: {  	s4 =	sld [smem:$0x3FC3]  }
0x93: {  	s5 =	sld [smem:$0x3FD0];
	(tm) =	ssettm $0x1  }
0x94: {  	s6 =	sld [smem:$0x3FFB];
	_ =	sdelay $0x3  }
0x95: {  	_ =	strace s6  }
0x96: {  	s6 =	sld [smem:$0x3FFC];
	_ =	sdelay $0x3  }
0x97: {  	_ =	strace s6  }
0x98: {  	s6 =	sld [smem:$0x3FFD];
	_ =	sdelay $0x3  }
0x99: {  	_ =	strace s6  }
0x9a: {  	_ =	strace $0x8FFFFFFF  }
0x9b: {  	s19 =	sld [smem:$0x3FDB];
	_ =	sdelay $0x1  }
0x9c: {  	s7 =	simm.s32 $_scs_section_size  }
0x9d: {  	s8 =	simm.s32 $_size__tile_overlayer_lowered;
	s9 =	simm.s32 $_tile_overlayer_lowered  }
0x9e: {  	s22 =	simm.s32 $0x1BFF;
	s21 =	sshll.u32 s9, $0x1;
	s6 =	sadd.s32 s7, s19  }
0x9f: {  	s10 =	simm.s32 $0x0;
	s20 =	sshll.u32 s8, $0x1;
	s8 =	sadd.s32 s21, s6  }
0xa0: {  	[timem:s10], [sflag:s22] =	dma.local [hbm:s8], s20  }
0xa1: {  	_ =	swait.ge [sflag:s22], s20  }
0xa2: {  	s7 =	ssub.s32 $0x0, s20;
	[sflag:s22] =	ssyncset.done $0x0  }
0xa3: {  	[sflag:s22] =	ssyncadd.s32 s7;
	_ =	sdelay $0x1  }
0xa4: {  	s23 =	simm.s32 $0x1B8B  }
0xa5: {  	_ =	swait.ge [sflag:s23], $0x1  }
0xa6: {  	[sflag:s23] =	ssyncset.done $0x0  }
0xa7: {  	s25 =	simm.s32 $0x1B8E;
	s24 =	sld [smem:$0x3FFE];
	[sflag:s23] =	ssyncadd.s32 $0xFFFFFFFF  }
0xa8: {  	s26 =	simm.s32 $execute0_lowered;
	[smem:$0x3FD2] =	sst s25  }
0xa9: {  	s8 =	sshll.u32 s26, $0x1;
	_ =	strace $0x80000046;
	[dreg:$0x1] =	wrdreg $0xFFFFFFFF  }
0xaa: {  	s28 =	simm.s32 $_size_execute0_lowered;
	s6 =	sadd.s32 s6, s8;
	[dreg:$0x0] =	wrdreg $0x0  }
0xab: {  	s8 =	sshll.u32 s28, $0x1;
	[dreg:$0x2] =	wrdreg s6  }
0xac: {  	[dreg:$0x3] =	wrdreg s8  }
0xad: {  	[dreg:$0x4] =	wrdreg $0xC0  }
0xae: {  	_ =	task [dreg:s10], $0x5FFFF  }
0xaf: {  	[dreg:$0x1] =	wrdreg $0xFFFFFFFF  }
0xb0: {  	[dreg:$0x0] =	wrdreg $0x60  }
0xb1: {  	[dreg:$0x2] =	wrdreg s2  }
0xb2: {  	[dreg:$0x3] =	wrdreg s18  }
0xb3: {  	[dreg:$0x4] =	wrdreg s24  }
0xb4: {  	[dreg:$0x5] =	wrdreg s4  }
0xb5: {  	[dreg:$0x6] =	wrdreg s5  }
0xb6: {  	[dreg:$0x7] =	wrdreg $0x9  }
0xb7: {  	_ =	task.clear_ibuf [dreg:s10], $0x8FFFF;
	_ =	strace $0x90000046  }
0xb8: {  	s29 =	simm.s32 $0x9;
	_ =	strace $0x80000048  }
0xb9: {  	_ =	swait.ge [sflag:s29], $0x1  }
0xba: {  	[sflag:s29] =	ssyncadd.s32 $0xFFFFFFFF  }
0xbb: {  	_ =	strace $0x90000048  }
0xbc: {  	_ =	sfence  }
0xbd: {  	s30 =	sld [smem:$0x0];
	_ =	sdelay $0x2  }
0xbe: {  	s31 =	sshll.u32 s1, $0xD;
	s1 =	sshrl.u32 s1, $0x2  }
0xbf: {  	s3 =	sand.u32 $0x4000, s31;
	s1 =	sadd.s32 s1, s30  }
0xc0: {  	s0 =	sor.u32 s3, s0;
	s1 =	sshll.u32 s1, $0x11  }
0xc1: {  	s0 =	sor.u32 s1, s0  }
0xc2: {  	s0 =	sadd.s32 $0x8F2B, s0  }
0xc3: {  	[sflag:s0] =	ssyncadd.remote.s32 $0x1  }
0xc4: {  	_ =	sfence.sel $0xFFFF  }
0xc5: {  	[dreg:$0x0] =	wrdreg $0xFFFFFFFF;
	(pc) =	sbr.abs _section_cstart, $3  }
0xc6: {  	[dreg:$0x1] =	wrdreg $0xFFFFFFFF  }
0xc7: {  	_ =	task.clear_ibuf [dreg:s10], $0x2FFFF;
	_ =	strace $0x9FFFFFFF  }
0xc8: {  	(tm) =	ssettm $0x7FFFFFFF  }
0xc9: {  	_ =	shalt  }
tec
execute0_lowered:
.L_overlay_start_1:
0x0: {  	(tag) =	ssettag $0x1  }
0x1: {  	s3 =	rddreg [dreg:$0x0]  }
0x2: {  	s5 =	rddreg [dreg:$0x1]  }
0x3: {  	s13 =	rddreg [dreg:$0x2]  }
0x4: {  	s9 =	rddreg [dreg:$0x3]  }
0x5: {  	s17 =	rddreg [dreg:$0x4];
	s2 =	srdreg.scid  }
0x6: {  	s0 =	rddreg [dreg:$0x5];
	s1 =	stileid.u32;
	s19 =	sand.u32 $0x1, s2  }
0x7: {  	s2 =	simm.s32 $0x0;
	s4 =	sshll.u32 s1, $0x5;
	s6 =	sshll.u32 s19, $0x4  }
0x8: {  	[smem:$0x7FF] =	sst s2;
	s18 =	sor.u32 s6, s4  }
0x9: {  	_ =	strace $0x80000047;
	s4 =	sadd.s32 s3, s18;
	s3 =	simm.s32 $0x3  }
0xa: {  	[tilespmem:s2], [sflag:$0x3] =	stream.linear.gather [hbm4b:s4+s2], $0x80, $0x38;
	[tilespmem:$0x400] =	vst v63  }
0xb: {  	_ =	swait.ge [sflag:s3], $0x80  }
0xc: {  	[sflag:s3] =	ssyncset.done $0x0  }
0xd: {  	s6 =	simm.s32 $0x80;
	s5 =	sadd.s32 s5, s18;
	[sflag:s3] =	ssyncadd.s32 $0xFFFFFF80  }
0xe: {  	[tilespmem:s6], [sflag:$0x3] =	stream.linear.gather [hbm4b:s5+s2], $0x80, $0x38;
	[tilespmem:$0x400] =	vst v63  }
0xf: {  	_ =	swait.ge [sflag:s3], $0x80  }
0x10: {  	[sflag:s3] =	ssyncset.done $0x0  }
0x11: {  	s8 =	simm.s32 $0x200;
	s7 =	sadd.s32 $0x6600, s13;
	[sflag:s3] =	ssyncadd.s32 $0xFFFFFF80  }
0x12: {  	[tilespmem:s8], [sflag:$0x3] =	stream.linear.gather [hbm4b:s7+s2], $0x100, $0x38;
	[tilespmem:$0x400] =	vst v63  }
0x13: {  	_ =	swait.ge [sflag:s3], $0x100  }
0x14: {  	[sflag:s3] =	ssyncset.done $0x0  }
0x15: {  	s10 =	simm.s32 $0x300;
	s9 =	sadd.s32 s9, s18;
	[sflag:s3] =	ssyncadd.s32 $0xFFFFFF00  }
0x16: {  	[tilespmem:s10], [sflag:$0x3] =	stream.linear.gather [hbm4b:s9+s2], $0x80, $0x38;
	[tilespmem:$0x400] =	vst v63  }
0x17: {  	_ =	swait.ge [sflag:s3], $0x80  }
0x18: {  	[sflag:s3] =	ssyncset.done $0x0  }
0x19: {  	s12 =	simm.s32 $0x100;
	s11 =	sadd.s32 $0x200, s13;
	[sflag:s3] =	ssyncadd.s32 $0xFFFFFF80  }
0x1a: {  	[tilespmem:s12], [sflag:$0x1] =	stream.indirect.gather [hbm4b:s11+s6], $0x1, s2, s6, $0xb8;
	[tilespmem:$0x400] =	vst v63  }
0x1b: {  	s14 =	simm.s32 $0x180;
	s15 =	simm.s32 $0x1;
	s13 =	sadd.s32 $0x3400, s13  }
0x1c: {  	[tilespmem:s14], [sflag:$0x2] =	stream.indirect.gather [hbm4b:s13+s6], $0x1, s6, s6, $0xb8;
	[tilespmem:$0x400] =	vst v63  }
0x1d: {  	_ =	swait.ge [sflag:s15], $0x80  }
0x1e: {  	[sflag:s15] =	ssyncset.done $0x0  }
0x1f: {  	s16 =	simm.s32 $0x2;
	[sflag:s15] =	ssyncadd.s32 $0xFFFFFF80  }
0x20: {  	_ =	swait.ge [sflag:s16], $0x80  }
0x21: {  	[sflag:s16] =	ssyncset.done $0x0  }
0x22: {  	[sflag:s16] =	ssyncadd.s32 $0xFFFFFF80  }
0x23: {  	v1 =	vld [tilespmem:$0x1D0]  }
0x24: {  	v2 =	vld [tilespmem:$0x170]  }
0x25: {  	v0 =	vld [tilespmem:$0x140]  }
0x26: {  	v3 =	vld [tilespmem:$0x1F0]  }
0x27: {  	v4 =	vld [tilespmem:$0x350]  }
0x28: {  	v5 =	vld [tilespmem:$0x310]  }
0x29: {  	v6 =	vld [tilespmem:$0x150]  }
0x2a: {  	v7 =	vld [tilespmem:$0x1C0]  }
0x2b: {  	v8 =	vld [tilespmem:$0x1E0]  }
0x2c: {  	v9 =	vld [tilespmem:$0x160]  }
0x2d: {  	v10 =	vld [tilespmem:$0x1B0]  }
0x2e: {  	v11 =	vld [tilespmem:$0x190]  }
0x2f: {  	v12 =	vld [tilespmem:$0x110]  }
0x30: {  	v13 =	vld [tilespmem:$0x180]  }
0x31: {  	v14 =	vld [tilespmem:$0x1A0]  }
0x32: {  	v15 =	vld [tilespmem:$0x130]  }
0x33: {  	v16 =	vld [tilespmem:$0x300]  }
0x34: {  	v17 =	vld [tilespmem:$0x120]  }
0x35: {  	v18 =	vld [tilespmem:$0x200]  }
0x36: {  	v19 =	vld [tilespmem:$0x320]  }
0x37: {  	v20 =	vld [tilespmem:$0x100]  }
0x38: {  	v7 =	vadd.f32 v7, v0;
	v0 =	vadd.f32 v8, v9;
	v8 =	vld [tilespmem:$0x330]  }
0x39: {  	v9 =	vadd.f32 v11, v12;
	v6 =	vadd.f32 v1, v6;
	v11 =	vld [tilespmem:$0x340]  }
0x3a: {  	v10 =	vadd.f32 v10, v15;
	v61 =	vadd.f32 v14, v17;
	v1 =	vld [tilespmem:$0x280];
	v5 =	vmul.f32 v5, v18  }
0x3b: {  	v62 =	vadd.f32 v3, v2;
	v3 =	vld [tilespmem:$0x370];
	v63 =	vmul.f32 v19, v18;
	v4 =	vmul.f32 v4, v18  }
0x3c: {  	s19 =	ssub.s32 $0x2, s19;
	v13 =	vadd.f32 v13, v20;
	v16 =	vmul.f32 v16, v18;
	v2 =	vadd.f32 v5, v9  }
0x3d: {  	s20 =	sshrl.u32 s19, $0x1;
	v5 =	vld [tilespmem:$0x360];
	v9 =	vadd.f32 v63, v61;
	v4 =	vadd.f32 v4, v6  }
0x3e: {  	s19 =	ssub.s32 s19, s20;
	v6 =	vmul.f32 v8, v18;
	v8 =	vmul.f32 v11, v18;
	v11 =	vadd.f32 v16, v13  }
0x3f: {  	s19 =	smax.u32 s19, $0x1;
	v9 =	vadd.f32 v9, v1;
	v4 =	vadd.f32 v4, v1  }
0x40: {  	p0 =	sne.s32 s19, $0x1;
	v6 =	vadd.f32 v6, v10;
	v10 =	vmul.f32 v3, v18;
	v7 =	vadd.f32 v8, v7  }
.Ltmp0:
0x41: {  	v8 =	vsub.f32 $0.0e+00, v9;
	v4 =	vsub.f32 $0.0e+00, v4;
	(pc) =	sbr.rel @!p0 .LBB2_2-.Ltmp0, $4  }
0x42: {  	v3 =	vmul.f32 v5, v18;
	v5 =	vadd.f32 v7, v1;
	v7 =	vadd.f32 v10, v62  }
0x43: {  	v9 =	vadd.f32 v6, v1;
	v10 =	vadd.f32 v11, v1;
	v11 =	vmul.f32 $1.442695020e+00, v8  }
0x44: {  	v4 =	vmul.f32 $1.442695020e+00, v4;
	v6 =	vsub.f32 $0.0e+00, v5;
	v7 =	vadd.f32 v7, v1  }
0x45: {  	s17 =	sadd.s32 s17, s18;
	s18 =	simm.s32 $0x380;
	s19 =	sadd.s32 $0xFFFFFFFF, s19;
	v8 =	vsub.f32 $0.0e+00, v10;
	v5 =	vsub.f32 $0.0e+00, v9;
	(erf) = vpow2.f32 v11  }
.LBB2_1:
0x46: {  	p0 =	sne.s32 s19, $0x1;
	s19 =	sadd.s32 $0xFFFFFFFF, s19;
	v6 =	vmul.f32 $1.442695020e+00, v6;
	v7 =	vsub.f32 $0.0e+00, v7;
	(erf) = vpow2.f32 v4  }
0x47: {  	v0 =	vadd.f32 v3, v0;
	v4 =	vmul.f32 $1.442695020e+00, v8;
	v5 =	vmul.f32 $1.442695020e+00, v5  }
0x48: {  	v2 =	vadd.f32 v2, v1;
	v3 =	vmul.f32 $1.442695020e+00, v7;
	(erf) = vpow2.f32 v6  }
0x49: {  	v0 =	vadd.f32 v0, v1;
	(erf) = vpow2.f32 v4  }
0x4a: {  	v1 =	vsub.f32 $0.0e+00, v2;
	(erf) = vpow2.f32 v3  }
0x4b: {  	v0 =	vsub.f32 $0.0e+00, v0;
	(erf) = vpow2.f32 v5  }
0x4c: {  	v4 =	vmul.f32 $1.442695020e+00, v1  }
0x4d: {  	v0 =	vmul.f32 $1.442695020e+00, v0  }
0x4e: {  	(erf) = vpow2.f32 v4;
	v1 =	vpop (erf)  }
0x4f: {  	v3 =	vadd.f32 $1.000000000e+00, v1;
	v2 =	vpop (erf);
	(erf) = vpow2.f32 v0;
	_ =	sdelay $0x1  }
0x50: {  	(erf) = vrcp.f32 v3;
	v0 =	vpop (erf)  }
0x51: {  	v0 =	vadd.f32 $1.000000000e+00, v0;
	v1 =	vpop (erf)  }
0x52: {  	v1 =	vadd.f32 $1.000000000e+00, v1;
	v3 =	vpop (erf)  }
0x53: {  	v3 =	vadd.f32 $1.000000000e+00, v3;
	v4 =	vpop (erf);
	(erf) = vrcp.f32 v0  }
0x54: {  	v2 =	vadd.f32 $1.000000000e+00, v2;
	v4 =	vadd.f32 $1.000000000e+00, v4;
	(erf) = vrcp.f32 v1  }
0x55: {  	(erf) = vrcp.f32 v3  }
0x56: {  	v1 =	vpop (erf);
	(erf) = vrcp.f32 v2  }
0x57: {  	v2 =	vadd.f32 $1.000000000e+00, v1;
	(erf) = vrcp.f32 v4;
	v0 =	vpop (erf)  }
0x58: {  	v0 =	vadd.f32 $1.000000000e+00, v0  }
0x59: {  	(erf) = vrcp.f32 v2;
	v1 =	vpop (erf)  }
0x5a: {  	[tilespmem:$0x3A0] =	vst v1;
	(erf) = vrcp.f32 v0;
	_ =	sdelay $0x1  }
0x5b: {  	v0 =	vpop (erf)  }
0x5c: {  	[tilespmem:$0x3C0] =	vst v0;
	v0 =	vpop (erf)  }
0x5d: {  	[tilespmem:$0x380] =	vst v0;
	v0 =	vpop (erf)  }
0x5e: {  	[tilespmem:$0x3F0] =	vst v0;
	v0 =	vpop (erf)  }
0x5f: {  	[tilespmem:$0x3D0] =	vst v0;
	v0 =	vpop (erf)  }
0x60: {  	[tilespmem:$0x3B0] =	vst v0  }
0x61: {  	v0 =	vpop (erf)  }
0x62: {  	[tilespmem:$0x390] =	vst v0;
	v0 =	vpop (erf)  }
0x63: {  	[tilespmem:$0x3E0] =	vst v0  }
0x64: {  	[hbm4b:s17+s2] =	stream.linear.scatter [tilespmem:s18], [sflag:$0x3], $0x80, $0x38;
	[tilespmem:$0x400] =	vst v63  }
0x65: {  	_ =	swait.ge [sflag:s3], $0x80  }
0x66: {  	[sflag:s3] =	ssyncset.done $0x0  }
0x67: {  	[sflag:s3] =	ssyncadd.s32 $0xFFFFFF80;
	_ =	sdelay $0x1  }
0x68: {  	[tilespmem:s2], [sflag:$0x3] =	stream.linear.gather [hbm4b:s4+s2], $0x80, $0x38;
	[tilespmem:$0x400] =	vst v63  }
0x69: {  	_ =	swait.ge [sflag:s3], $0x80  }
0x6a: {  	[sflag:s3] =	ssyncset.done $0x0  }
0x6b: {  	[sflag:s3] =	ssyncadd.s32 $0xFFFFFF80  }
0x6c: {  	[tilespmem:s6], [sflag:$0x3] =	stream.linear.gather [hbm4b:s5+s2], $0x80, $0x38;
	[tilespmem:$0x400] =	vst v63  }
0x6d: {  	_ =	swait.ge [sflag:s3], $0x80  }
0x6e: {  	[sflag:s3] =	ssyncset.done $0x0  }
0x6f: {  	[sflag:s3] =	ssyncadd.s32 $0xFFFFFF80  }
0x70: {  	[tilespmem:s8], [sflag:$0x3] =	stream.linear.gather [hbm4b:s7+s2], $0x100, $0x38;
	[tilespmem:$0x400] =	vst v63  }
0x71: {  	_ =	swait.ge [sflag:s3], $0x100  }
0x72: {  	[sflag:s3] =	ssyncset.done $0x0  }
0x73: {  	[sflag:s3] =	ssyncadd.s32 $0xFFFFFF00  }
0x74: {  	[tilespmem:s10], [sflag:$0x3] =	stream.linear.gather [hbm4b:s9+s2], $0x80, $0x38;
	[tilespmem:$0x400] =	vst v63  }
0x75: {  	_ =	swait.ge [sflag:s3], $0x80  }
0x76: {  	[sflag:s3] =	ssyncset.done $0x0  }
0x77: {  	[sflag:s3] =	ssyncadd.s32 $0xFFFFFF80  }
0x78: {  	[tilespmem:s12], [sflag:$0x1] =	stream.indirect.gather [hbm4b:s11+s6], $0x1, s2, s6, $0xb8;
	[tilespmem:$0x400] =	vst v63  }
0x79: {  	_ = 	snop  }
0x7a: {  	[tilespmem:s14], [sflag:$0x2] =	stream.indirect.gather [hbm4b:s13+s6], $0x1, s6, s6, $0xb8;
	[tilespmem:$0x400] =	vst v63  }
0x7b: {  	_ =	swait.ge [sflag:s15], $0x80  }
0x7c: {  	[sflag:s15] =	ssyncset.done $0x0  }
0x7d: {  	[sflag:s15] =	ssyncadd.s32 $0xFFFFFF80  }
0x7e: {  	_ =	swait.ge [sflag:s16], $0x80  }
0x7f: {  	[sflag:s16] =	ssyncset.done $0x0  }
0x80: {  	[sflag:s16] =	ssyncadd.s32 $0xFFFFFF80  }
0x81: {  	v1 =	vld [tilespmem:$0x1D0]  }
0x82: {  	v2 =	vld [tilespmem:$0x170]  }
0x83: {  	v0 =	vld [tilespmem:$0x140]  }
0x84: {  	v3 =	vld [tilespmem:$0x1F0]  }
0x85: {  	v4 =	vld [tilespmem:$0x350]  }
0x86: {  	v5 =	vld [tilespmem:$0x310]  }
0x87: {  	v6 =	vld [tilespmem:$0x150]  }
0x88: {  	v7 =	vld [tilespmem:$0x360]  }
0x89: {  	v8 =	vld [tilespmem:$0x1C0]  }
0x8a: {  	v9 =	vld [tilespmem:$0x330]  }
0x8b: {  	v10 =	vld [tilespmem:$0x1E0]  }
0x8c: {  	v11 =	vld [tilespmem:$0x160]  }
0x8d: {  	v12 =	vld [tilespmem:$0x1B0]  }
0x8e: {  	v13 =	vld [tilespmem:$0x190]  }
0x8f: {  	v14 =	vld [tilespmem:$0x110]  }
0x90: {  	v8 =	vadd.f32 v8, v0;
	v15 =	vld [tilespmem:$0x180]  }
0x91: {  	v16 =	vld [tilespmem:$0x1A0];
	v0 =	vadd.f32 v10, v11  }
0x92: {  	v10 =	vld [tilespmem:$0x130]  }
0x93: {  	v11 =	vld [tilespmem:$0x300]  }
0x94: {  	v13 =	vadd.f32 v13, v14;
	v14 =	vld [tilespmem:$0x120]  }
0x95: {  	v6 =	vadd.f32 v1, v6;
	v17 =	vld [tilespmem:$0x100]  }
0x96: {  	v18 =	vld [tilespmem:$0x200]  }
0x97: {  	v19 =	vld [tilespmem:$0x320];
	v10 =	vadd.f32 v12, v10;
	_ =	sdelay $0x1  }
0x98: {  	v12 =	vadd.f32 v16, v14;
	v14 =	vld [tilespmem:$0x340]  }
0x99: {  	v16 =	vadd.f32 v3, v2;
	v20 =	vld [tilespmem:$0x370]  }
0x9a: {  	v15 =	vadd.f32 v15, v17;
	v1 =	vld [tilespmem:$0x280];
	v2 =	vmul.f32 v5, v18;
	v3 =	vmul.f32 v7, v18  }
0x9b: {  	v4 =	vmul.f32 v4, v18;
	v5 =	vmul.f32 v19, v18  }
0x9c: {  	v7 =	vmul.f32 v11, v18;
	v9 =	vmul.f32 v9, v18;
	v2 =	vadd.f32 v2, v13  }
0x9d: {  	v4 =	vadd.f32 v4, v6;
	v5 =	vadd.f32 v5, v12;
	v11 =	vmul.f32 v14, v18  }
0x9e: {  	v6 =	vadd.f32 v7, v15;
	v7 =	vadd.f32 v9, v10;
	v9 =	vmul.f32 v20, v18  }
0x9f: {  	v5 =	vadd.f32 v5, v1;
	v4 =	vadd.f32 v4, v1  }
0xa0: {  	v10 =	vadd.f32 v7, v1;
	v7 =	vadd.f32 v11, v8  }
.Ltmp1:
0xa1: {  	v5 =	vsub.f32 $0.0e+00, v5;
	v4 =	vsub.f32 $0.0e+00, v4;
	(pc) =	sbr.rel @p0 .LBB2_1-.Ltmp1, $4  }
0xa2: {  	v8 =	vadd.f32 v9, v16;
	v7 =	vadd.f32 v7, v1  }
0xa3: {  	v9 =	vadd.f32 v6, v1;
	v11 =	vmul.f32 $1.442695020e+00, v5;
	v4 =	vmul.f32 $1.442695020e+00, v4  }
0xa4: {  	v6 =	vsub.f32 $0.0e+00, v7;
	v7 =	vadd.f32 v8, v1  }
0xa5: {  	v8 =	vsub.f32 $0.0e+00, v9;
	v5 =	vsub.f32 $0.0e+00, v10;
	(erf) = vpow2.f32 v11  }
.LBB2_2:
0xa6: {  	v6 =	vmul.f32 $1.442695020e+00, v6;
	v7 =	vsub.f32 $0.0e+00, v7;
	v0 =	vadd.f32 v3, v0  }
0xa7: {  	(erf) = vpow2.f32 v4;
	v2 =	vadd.f32 v2, v1;
	v41 =	vmul.f32 $1.442695020e+00, v8  }
0xa8: {  	v42 =	vmul.f32 $1.442695020e+00, v7;
	(erf) = vpow2.f32 v6;
	v0 =	vadd.f32 v0, v1  }
0xa9: {  	v43 =	vsub.f32 $0.0e+00, v2;
	(erf) = vpow2.f32 v41  }
0xaa: {  	v44 =	vmul.f32 $1.442695020e+00, v5;
	(erf) = vpow2.f32 v42;
	v0 =	vsub.f32 $0.0e+00, v0  }
0xab: {  	v1 =	vmul.f32 $1.442695020e+00, v43  }
0xac: {  	(erf) = vpow2.f32 v44;
	v0 =	vmul.f32 $1.442695020e+00, v0  }
0xad: {  	(erf) = vpow2.f32 v1  }
0xae: {  	(erf) = vpow2.f32 v0  }
0xaf: {  	v45 =	vpop (erf)  }
0xb0: {  	v46 =	vpop (erf)  }
0xb1: {  	v0 =	vadd.f32 $1.000000000e+00, v45;
	v47 =	vpop (erf)  }
0xb2: {  	v2 =	vadd.f32 $1.000000000e+00, v47;
	v3 =	vpop (erf)  }
0xb3: {  	(erf) = vrcp.f32 v0;
	v48 =	vadd.f32 $1.000000000e+00, v3;
	v49 =	vpop (erf)  }
0xb4: {  	v3 =	vadd.f32 $1.000000000e+00, v49;
	(erf) = vrcp.f32 v2  }
0xb5: {  	v1 =	vadd.f32 $1.000000000e+00, v46;
	v50 =	vpop (erf);
	(erf) = vrcp.f32 v48  }
0xb6: {  	v51 =	vadd.f32 $1.000000000e+00, v50;
	v52 =	vpop (erf);
	(erf) = vrcp.f32 v3  }
0xb7: {  	v53 =	vadd.f32 $1.000000000e+00, v52;
	(erf) = vrcp.f32 v1;
	v54 =	vpop (erf)  }
0xb8: {  	(erf) = vrcp.f32 v51;
	v55 =	vadd.f32 $1.000000000e+00, v54  }
0xb9: {  	(erf) = vrcp.f32 v53  }
0xba: {  	(erf) = vrcp.f32 v55;
	_ =	sdelay $0x1  }
0xbb: {  	v56 =	vpop (erf)  }
0xbc: {  	[tilespmem:$0x3A0] =	vst v56;
	v57 =	vpop (erf)  }
0xbd: {  	[tilespmem:$0x3C0] =	vst v57;
	v58 =	vpop (erf)  }
0xbe: {  	[tilespmem:$0x380] =	vst v58;
	v59 =	vpop (erf)  }
0xbf: {  	[tilespmem:$0x3F0] =	vst v59;
	v60 =	vpop (erf)  }
0xc0: {  	[tilespmem:$0x3D0] =	vst v60;
	v61 =	vpop (erf)  }
0xc1: {  	[tilespmem:$0x3B0] =	vst v61;
	v62 =	vpop (erf)  }
0xc2: {  	[tilespmem:$0x390] =	vst v62;
	v63 =	vpop (erf)  }
0xc3: {  	[tilespmem:$0x3E0] =	vst v63  }
0xc4: {  	[hbm4b:s17+s2] =	stream.linear.scatter [tilespmem:s18], [sflag:$0x3], $0x80, $0x38;
	[tilespmem:$0x400] =	vst v63  }
0xc5: {  	_ =	swait.ge [sflag:s3], $0x80  }
0xc6: {  	[sflag:s3] =	ssyncset.done $0x0  }
0xc7: {  	[sflag:s3] =	ssyncadd.s32 $0xFFFFFF80  }
0xc8: {  	_ =	sfence.sel $0x180000  }
0xc9: {  	[bflag:$0x0] =	sbarrier.arrive $0xFFFF  }
0xca: {  	p0 =	sne.s32 s1, $0x0;
	_ =	strace $0x90000047  }
0xcb: {  	s0 =	sadd.s32 @!p0 $0x100000, s0;
	[bflag:$0x2] =	sbarrier.arrive $0xFFFF  }
0xcc: {  	[sflag:s0] =	ssyncadd.tile.s32 @!p0 $0x1;
	_ =	shalt  }
.Lfunc_end2:
_tile_overlayer_lowered:
.L_overlay_start_2:
0xcd: {  	(tag) =	ssettag $0x2  }
0xce: {  	s0 =	rddreg [dreg:$0x0];
	s2 =	stileid.u32  }
0xcf: {  	s1 =	rddreg [dreg:$0x1];
	p0 =	sne.s32 s2, $0x0  }
0xd0: {  	s3 =	rddreg [dreg:$0x2];
	[bflag:$0x3] =	sbarrier.arrive $0xFFFF;
	s2 =	simm.s32 @!p0 $0x1C03  }
0xd1: {  	[timem:s3], [sflag:s2] =	dma.local @!p0 [hbm:s0], s1  }
0xd2: {  	s0 =	simm.s32 @!p0 $0x3  }
0xd3: {  	_ =	swait.ge @!p0 [sflag:s0], s1  }
0xd4: {  	s1 =	ssub.s32 @!p0 $0x0, s1;
	[sflag:s0] =	ssyncset.done @!p0 $0x0  }
0xd5: {  	[sflag:s0] =	ssyncadd.s32 @!p0 s1  }
0xd6: {  	[bflag:$0x3] =	sbarrier.arrive $0xFFFF  }
0xd7: {  	_ =	shalt  }

</sc_bundles>
